<compile_context>
chip_gen: v7x
topology: tpu7x:2x2x1
jax: 0.10.2.dev20260603
libtpu: 0.0.44.dev20260713+nightly
codegen_flags: <defaults>
</compile_context>

<pallas_src>
import functools

import jax
import jax.numpy as jnp
from jax.experimental import pallas as pl

_GAMMA = 0.5


def _vq_body(x_ref, out_ref, c_ref, *, r, n, d):
    xf = x_ref[0]
    x3 = xf.reshape(r, n, d)
    c0 = jnp.sum(x3, axis=1)
    c0 = c0 * jax.lax.rsqrt(jnp.sum(c0 * c0, axis=1, keepdims=True))

    dot = functools.partial(
        jax.lax.dot_general,
        preferred_element_type=jnp.float32,
        precision=jax.lax.Precision.DEFAULT,
    )
    scoresT = dot(c0, xf, dimension_numbers=(((1,), (1,)), ((), ())))
    tokmax = jnp.max(scoresT, axis=0, keepdims=True)
    codemax = jnp.max(scoresT, axis=1, keepdims=True)
    attn = (scoresT == tokmax).astype(jnp.float32) + (
        scoresT == codemax
    ).astype(jnp.float32)
    delta = dot(attn, xf, dimension_numbers=(((1,), (0,)), ((), ())))
    delta = delta * jax.lax.rsqrt(jnp.sum(delta * delta, axis=1, keepdims=True))
    c1 = _GAMMA * c0 + (1.0 - _GAMMA) * delta
    c1 = c1 * jax.lax.rsqrt(jnp.sum(c1 * c1, axis=1, keepdims=True))
    c_ref[0] = c1

    scores1T = dot(c1, xf, dimension_numbers=(((1,), (1,)), ((), ())))
    m1 = jnp.max(scores1T, axis=0, keepdims=True)
    ohT = (scores1T == m1).astype(jnp.float32)
    out_ref[0] = jnp.swapaxes(ohT, 0, 1)


def kernel(x):
    b, h, r, n, d = x.shape
    bh = b * h
    l = r * n
    xf = x.reshape(bh, l, d)
    out, c = pl.pallas_call(
        functools.partial(_vq_body, r=r, n=n, d=d),
        grid=(bh,),
        in_specs=[pl.BlockSpec((1, l, d), lambda i: (i, 0, 0))],
        out_specs=[
            pl.BlockSpec((1, l, d), lambda i: (i, 0, 0)),
            pl.BlockSpec((1, r, d), lambda i: (i, 0, 0)),
        ],
        out_shape=[
            jax.ShapeDtypeStruct((bh, l, d), jnp.float32),
            jax.ShapeDtypeStruct((bh, r, d), jnp.float32),
        ],
    )(xf)
    return out.reshape(b, h, r, n, d), c.reshape(b, h, r, d)

# --- scband reference (transcript-rebuilt; emitter-appended) ---
"""Pipeline reference for scband-quantizer-20753281974680 (READ-ONLY COPY).

The authoritative reference and input builder live on the scoring server;
editing this copy changes nothing except your own understanding.
"""

import jax, jax.numpy as jnp
import numpy as np

GAMMA = 0.5
ITERATIONS = 1


def setup_inputs(seed: int = 0) -> dict:
    key = jax.random.key(seed)
    x = jax.random.normal(key, (2, 16, 64, 128, 64), dtype=jnp.float32)
    return {"x": x}


def _l2norm(v):
    return v / jnp.linalg.norm(v, axis=-1, keepdims=True)


def init_codebook(x):
    c_init = jnp.sum(x, axis=-2)
    return _l2norm(c_init)


def update_codebook(xf, c):
    affinity = jnp.einsum('bhnd,bhld->bhnl', c, xf)
    argmax_hw = jnp.argmax(affinity, axis=-1)
    argmax_n = jnp.argmax(affinity, axis=-2)
    oh_hw = jax.nn.one_hot(argmax_hw, xf.shape[-2], dtype=jnp.float32)
    oh_n = jnp.swapaxes(jax.nn.one_hot(argmax_n, c.shape[-2], dtype=jnp.float32), -2, -1)
    attn = oh_hw + oh_n
    delta_c = jnp.einsum('bhnl,bhld->bhnd', attn, xf)
    delta_c = _l2norm(delta_c)
    c_new = GAMMA * c + (1.0 - GAMMA) * delta_c
    return _l2norm(c_new)


def get_codebook(x):
    c = init_codebook(x)
    b, h, r, n, d = x.shape
    xf = x.reshape(b, h, r * n, d)
    for _ in range(ITERATIONS):
        c = update_codebook(xf, c)
    return c


def reference(x):
    c = get_codebook(x)
    cosSim = jnp.einsum('bhrcd,bhsd->bhrcs', x, c)
    delta_index = jnp.argmax(cosSim, axis=-1)
    delta_onehot = jax.nn.one_hot(delta_index, c.shape[-2], dtype=jnp.float32)
    return (delta_onehot, c)

if __name__ == "__main__":
    import jax
    _d = setup_inputs()
    print(jax.jit(kernel)(*tuple(_d.values())))

</pallas_src>

<mosaic_0001>
module attributes {stable_mosaic.version = 14 : i64} {
  func.func @_vq_body(%arg0: i32, %arg1: memref<1x8192x64xf32, #tpu.memory_space<vmem>>, %arg2: memref<1x8192x64xf32, #tpu.memory_space<vmem>>, %arg3: memref<1x64x64xf32, #tpu.memory_space<vmem>>) attributes {dimension_semantics = [#tpu.dimension_semantics<arbitrary>], iteration_bounds = array<i64: 32>, scalar_prefetch = 0 : i64, scratch_operands = 0 : i64, tpu.core_type = #tpu.core_type<tc>, window_params = [{transform_indices = @transform_0, window_bounds = array<i64: 1, 8192, 64>}, {transform_indices = @transform_1, window_bounds = array<i64: 1, 8192, 64>}, {transform_indices = @transform_2, window_bounds = array<i64: 1, 64, 64>}]} {
    %get3A = arith.constant 0 : index
    %get3A_0 = arith.constant 0 : index
    %get3A_1 = arith.constant 0 : index
    %get3A_2 = vector.load %arg1[%get3A, %get3A_0, %get3A_1] : memref<1x8192x64xf32, #tpu.memory_space<vmem>>, vector<1x8192x64xf32>
    %get3A_3 = vector.shape_cast %get3A_2 : vector<1x8192x64xf32> to vector<8192x64xf32>
    %reshape3A = vector.shape_cast %get3A_3 : vector<8192x64xf32> to vector<64x128x64xf32>
    %reduce_sum3A = arith.constant dense<0.000000e+00> : vector<64x64xf32>
    %reduce_sum3A_4 = vector.multi_reduction <add>, %reshape3A, %reduce_sum3A [1] : vector<64x128x64xf32> to vector<64x64xf32>
    %mul3A = arith.mulf %reduce_sum3A_4, %reduce_sum3A_4 : vector<64x64xf32>
    %reduce_sum3A_5 = arith.constant dense<0.000000e+00> : vector<64xf32>
    %reduce_sum3A_6 = vector.multi_reduction <add>, %mul3A, %reduce_sum3A_5 [1] : vector<64x64xf32> to vector<64xf32>
    %broadcast_in_dim3A = vector.shape_cast %reduce_sum3A_6 : vector<64xf32> to vector<64x1xf32>
    %rsqrt3A = math.rsqrt %broadcast_in_dim3A : vector<64x1xf32>
    %mul3A_7 = vector.broadcast %rsqrt3A : vector<64x1xf32> to vector<64x64xf32>
    %mul3A_8 = arith.mulf %reduce_sum3A_4, %mul3A_7 : vector<64x64xf32>
    %dot_general3A = arith.constant dense<0.000000e+00> : vector<64x8192xf32>
    %dot_general3A_9 = tpu.matmul %mul3A_8, %get3A_3, %dot_general3A {dimension_numbers = #tpu.dot_dimension_numbers<[1], [1], [0], [0], [0, 0, 1, 0], [], []>, transpose_lhs_hint = false} : vector<64x64xf32>, vector<8192x64xf32>, vector<64x8192xf32> -> vector<64x8192xf32>
    %reduce_max3A = arith.constant dense<0xFF800000> : vector<8192xf32>
    %reduce_max3A_10 = vector.multi_reduction <maximumf>, %dot_general3A_9, %reduce_max3A [0] : vector<64x8192xf32> to vector<8192xf32>
    %broadcast_in_dim3A_11 = vector.shape_cast %reduce_max3A_10 : vector<8192xf32> to vector<1x8192xf32>
    %reduce_max3A_12 = arith.constant dense<0xFF800000> : vector<64xf32>
    %reduce_max3A_13 = vector.multi_reduction <maximumf>, %dot_general3A_9, %reduce_max3A_12 [1] : vector<64x8192xf32> to vector<64xf32>
    %broadcast_in_dim3A_14 = vector.shape_cast %reduce_max3A_13 : vector<64xf32> to vector<64x1xf32>
    %eq3A = vector.broadcast %broadcast_in_dim3A_11 : vector<1x8192xf32> to vector<64x8192xf32>
    %eq3A_15 = arith.cmpf oeq, %dot_general3A_9, %eq3A : vector<64x8192xf32>
    %convert_element_type3A = arith.extui %eq3A_15 : vector<64x8192xi1> to vector<64x8192xi32>
    %convert_element_type3A_16 = arith.sitofp %convert_element_type3A : vector<64x8192xi32> to vector<64x8192xf32>
    %eq3A_17 = vector.broadcast %broadcast_in_dim3A_14 : vector<64x1xf32> to vector<64x8192xf32>
    %eq3A_18 = arith.cmpf oeq, %dot_general3A_9, %eq3A_17 : vector<64x8192xf32>
    %convert_element_type3A_19 = arith.extui %eq3A_18 : vector<64x8192xi1> to vector<64x8192xi32>
    %convert_element_type3A_20 = arith.sitofp %convert_element_type3A_19 : vector<64x8192xi32> to vector<64x8192xf32>
    %add3A = arith.addf %convert_element_type3A_16, %convert_element_type3A_20 : vector<64x8192xf32>
    %dot_general3A_21 = arith.constant dense<0.000000e+00> : vector<64x64xf32>
    %dot_general3A_22 = tpu.matmul %add3A, %get3A_3, %dot_general3A_21 {dimension_numbers = #tpu.dot_dimension_numbers<[1], [0], [0], [1], [0, 0, 1, 1], [], []>, transpose_lhs_hint = false} : vector<64x8192xf32>, vector<8192x64xf32>, vector<64x64xf32> -> vector<64x64xf32>
    %mul3A_23 = arith.mulf %dot_general3A_22, %dot_general3A_22 : vector<64x64xf32>
    %reduce_sum3A_24 = arith.constant dense<0.000000e+00> : vector<64xf32>
    %reduce_sum3A_25 = vector.multi_reduction <add>, %mul3A_23, %reduce_sum3A_24 [1] : vector<64x64xf32> to vector<64xf32>
    %broadcast_in_dim3A_26 = vector.shape_cast %reduce_sum3A_25 : vector<64xf32> to vector<64x1xf32>
    %rsqrt3A_27 = math.rsqrt %broadcast_in_dim3A_26 : vector<64x1xf32>
    %mul3A_28 = vector.broadcast %rsqrt3A_27 : vector<64x1xf32> to vector<64x64xf32>
    %mul3A_29 = arith.mulf %dot_general3A_22, %mul3A_28 : vector<64x64xf32>
    %mul3A_30 = arith.constant 5.000000e-01 : f32
    %mul3A_31 = vector.broadcast %mul3A_30 : f32 to vector<64x64xf32>
    %mul3A_32 = arith.mulf %mul3A_31, %mul3A_8 : vector<64x64xf32>
    %mul3A_33 = arith.constant 5.000000e-01 : f32
    %mul3A_34 = vector.broadcast %mul3A_33 : f32 to vector<64x64xf32>
    %mul3A_35 = arith.mulf %mul3A_34, %mul3A_29 : vector<64x64xf32>
    %add3A_36 = arith.addf %mul3A_32, %mul3A_35 : vector<64x64xf32>
    %mul3A_37 = arith.mulf %add3A_36, %add3A_36 : vector<64x64xf32>
    %reduce_sum3A_38 = arith.constant dense<0.000000e+00> : vector<64xf32>
    %reduce_sum3A_39 = vector.multi_reduction <add>, %mul3A_37, %reduce_sum3A_38 [1] : vector<64x64xf32> to vector<64xf32>
    %broadcast_in_dim3A_40 = vector.shape_cast %reduce_sum3A_39 : vector<64xf32> to vector<64x1xf32>
    %rsqrt3A_41 = math.rsqrt %broadcast_in_dim3A_40 : vector<64x1xf32>
    %mul3A_42 = vector.broadcast %rsqrt3A_41 : vector<64x1xf32> to vector<64x64xf32>
    %mul3A_43 = arith.mulf %add3A_36, %mul3A_42 : vector<64x64xf32>
    %swap3A = arith.constant 0 : index
    %swap3A_44 = arith.constant 0 : index
    %swap3A_45 = arith.constant 0 : index
    %swap3A_46 = vector.load %arg3[%swap3A, %swap3A_44, %swap3A_45] : memref<1x64x64xf32, #tpu.memory_space<vmem>>, vector<1x64x64xf32>
    %swap3A_47 = vector.shape_cast %swap3A_46 : vector<1x64x64xf32> to vector<64x64xf32>
    %swap3A_48 = vector.shape_cast %mul3A_43 : vector<64x64xf32> to vector<1x64x64xf32>
    tpu.vector_store %arg3[%swap3A, %swap3A_44, %swap3A_45], %swap3A_48 {strides = array<i32>} : memref<1x64x64xf32, #tpu.memory_space<vmem>>, vector<1x64x64xf32>,
    %dot_general3A_49 = arith.constant dense<0.000000e+00> : vector<64x8192xf32>
    %dot_general3A_50 = tpu.matmul %mul3A_43, %get3A_3, %dot_general3A_49 {dimension_numbers = #tpu.dot_dimension_numbers<[1], [1], [0], [0], [0, 0, 1, 0], [], []>, transpose_lhs_hint = false} : vector<64x64xf32>, vector<8192x64xf32>, vector<64x8192xf32> -> vector<64x8192xf32>
    %reduce_max3A_51 = arith.constant dense<0xFF800000> : vector<8192xf32>
    %reduce_max3A_52 = vector.multi_reduction <maximumf>, %dot_general3A_50, %reduce_max3A_51 [0] : vector<64x8192xf32> to vector<8192xf32>
    %broadcast_in_dim3A_53 = vector.shape_cast %reduce_max3A_52 : vector<8192xf32> to vector<1x8192xf32>
    %eq3A_54 = vector.broadcast %broadcast_in_dim3A_53 : vector<1x8192xf32> to vector<64x8192xf32>
    %eq3A_55 = arith.cmpf oeq, %dot_general3A_50, %eq3A_54 : vector<64x8192xf32>
    %convert_element_type3A_56 = arith.extui %eq3A_55 : vector<64x8192xi1> to vector<64x8192xi32>
    %convert_element_type3A_57 = arith.sitofp %convert_element_type3A_56 : vector<64x8192xi32> to vector<64x8192xf32>
    %transpose3A = tpu.transpose %convert_element_type3A_57, [1, 0] : vector<64x8192xf32> -> vector<8192x64xf32>
    %swap3A_58 = arith.constant 0 : index
    %swap3A_59 = arith.constant 0 : index
    %swap3A_60 = arith.constant 0 : index
    %swap3A_61 = vector.load %arg2[%swap3A_58, %swap3A_59, %swap3A_60] : memref<1x8192x64xf32, #tpu.memory_space<vmem>>, vector<1x8192x64xf32>
    %swap3A_62 = vector.shape_cast %swap3A_61 : vector<1x8192x64xf32> to vector<8192x64xf32>
    %swap3A_63 = vector.shape_cast %transpose3A : vector<8192x64xf32> to vector<1x8192x64xf32>
    tpu.vector_store %arg2[%swap3A_58, %swap3A_59, %swap3A_60], %swap3A_63 {strides = array<i32>} : memref<1x8192x64xf32, #tpu.memory_space<vmem>>, vector<1x8192x64xf32>,
    return
  }
  func.func @transform_0(%arg0: i32) -> (i32, i32, i32) {
    %c0_i32 = arith.constant 0 : i32
    %c0_i32_0 = arith.constant 0 : i32
    %c0_i32_1 = arith.constant 0 : i32
    return %arg0, %c0_i32, %c0_i32_0 : i32, i32, i32
  }
  func.func @transform_1(%arg0: i32) -> (i32, i32, i32) {
    %c0_i32 = arith.constant 0 : i32
    %c0_i32_0 = arith.constant 0 : i32
    %c0_i32_1 = arith.constant 0 : i32
    return %arg0, %c0_i32, %c0_i32_0 : i32, i32, i32
  }
  func.func @transform_2(%arg0: i32) -> (i32, i32, i32) {
    %c0_i32 = arith.constant 0 : i32
    %c0_i32_0 = arith.constant 0 : i32
    %c0_i32_1 = arith.constant 0 : i32
    return %arg0, %c0_i32, %c0_i32_0 : i32, i32, i32
  }
}

</mosaic_0001>

<sc_bundles>
// kernel: sparse-core-data-format-call.cloned.1.call-start
scs
called_computation_lowered:
.L_overlay_start_0:
0x0: {  	s2 =	sld [smem:$0x3FD9]  }
0x1: {  	s3 =	sld [smem:$0x3FFE];
	_ =	sdelay $0x1  }
0x2: {  	s1 =	srdreg.scid  }
0x3: {  	s0 =	sand.u32 $0x1, s1  }
0x4: {  	s15 =	sshll.u32 s0, $0xA;
	s2 =	sadd.s32 s3, s2  }
0x5: {  	s2 =	sadd.s32 s2, s15  }
0x6: {  	[smem:$0x3FC7] =	sst s2  }
0x7: {  	_ = 	snop  }
0x8: {  	s2 =	sld [smem:$0x3FD0];
	_ =	sdelay $0x2  }
0x9: {  	s16 =	simm.s32 $0xA;
	s4 =	simm.s32 $0x10  }
0xa: {  	[smem:s4], [sflag:s16] =	dma.local [hbm:s2], $0x1  }
0xb: {  	_ =	swait.eq [sflag:s16], $0x1  }
0xc: {  	[sflag:s16] =	ssyncset.done $0x0  }
0xd: {  	[sflag:s16] =	ssyncadd.s32 $0xFFFFFFFF  }
0xe: {  	s17 =	sld [smem:$0x10];
	(tm) =	ssettm $0x1  }
0xf: {  	s18 =	sld [smem:$0x3FFB];
	_ =	sdelay $0x3  }
0x10: {  	_ =	strace s18  }
0x11: {  	s3 =	sld [smem:$0x3FFC];
	_ =	sdelay $0x3  }
0x12: {  	_ =	strace s3  }
0x13: {  	s3 =	sld [smem:$0x3FFD];
	_ =	sdelay $0x3  }
0x14: {  	_ =	strace s3  }
0x15: {  	_ =	strace $0x8FFFFFFF  }
0x16: {  	s19 =	sld [smem:$0x3FDB];
	_ =	sdelay $0x1  }
0x17: {  	s20 =	simm.s32 $_scs_section_size  }
0x18: {  	s5 =	simm.s32 $_size__tile_overlayer_lowered;
	s6 =	simm.s32 $_tile_overlayer_lowered  }
0x19: {  	s23 =	simm.s32 $0x1BFF;
	s22 =	sshll.u32 s6, $0x1;
	s3 =	sadd.s32 s20, s19  }
0x1a: {  	s7 =	simm.s32 $0x0;
	s21 =	sshll.u32 s5, $0x1;
	s5 =	sadd.s32 s22, s3  }
0x1b: {  	[timem:s7], [sflag:s23] =	dma.local [hbm:s5], s21  }
0x1c: {  	_ =	swait.ge [sflag:s23], s21  }
0x1d: {  	s4 =	ssub.s32 $0x0, s21;
	[sflag:s23] =	ssyncset.done $0x0  }
0x1e: {  	[sflag:s23] =	ssyncadd.s32 s4;
	_ =	sdelay $0x1  }
0x1f: {  	s24 =	simm.s32 $0x1B8B  }
0x20: {  	_ =	swait.ge [sflag:s24], $0x1  }
0x21: {  	[sflag:s24] =	ssyncset.done $0x0  }
0x22: {  	s26 =	simm.s32 $0x1B8E;
	s25 =	sld [smem:$0x3FFE];
	[sflag:s24] =	ssyncadd.s32 $0xFFFFFFFF  }
0x23: {  	s27 =	simm.s32 $execute0_lowered;
	[smem:$0x3FD2] =	sst s26  }
0x24: {  	s5 =	sshll.u32 s27, $0x1;
	_ =	strace $0x80000046;
	[dreg:$0x1] =	wrdreg $0xFFFFFFFF  }
0x25: {  	s28 =	simm.s32 $_size_execute0_lowered;
	s3 =	sadd.s32 s3, s5;
	[dreg:$0x0] =	wrdreg $0x0  }
0x26: {  	s5 =	sshll.u32 s28, $0x1;
	[dreg:$0x2] =	wrdreg s3  }
0x27: {  	[dreg:$0x3] =	wrdreg s5  }
0x28: {  	[dreg:$0x4] =	wrdreg $0xC0  }
0x29: {  	_ =	task [dreg:s7], $0x5FFFF  }
0x2a: {  	[dreg:$0x1] =	wrdreg $0xFFFFFFFF  }
0x2b: {  	[dreg:$0x0] =	wrdreg $0x60  }
0x2c: {  	[dreg:$0x2] =	wrdreg s25  }
0x2d: {  	[dreg:$0x3] =	wrdreg s17  }
0x2e: {  	[dreg:$0x4] =	wrdreg $0x9  }
0x2f: {  	_ =	task.clear_ibuf [dreg:s7], $0x5FFFF;
	_ =	strace $0x90000046  }
0x30: {  	s29 =	simm.s32 $0x9;
	_ =	strace $0x80000048  }
0x31: {  	_ =	swait.ge [sflag:s29], $0x1  }
0x32: {  	[sflag:s29] =	ssyncadd.s32 $0xFFFFFFFF  }
0x33: {  	_ =	strace $0x90000048  }
0x34: {  	_ =	sfence  }
0x35: {  	s30 =	sld [smem:$0x0];
	_ =	sdelay $0x2  }
0x36: {  	s31 =	sshll.u32 s1, $0xD;
	s1 =	sshrl.u32 s1, $0x2  }
0x37: {  	s3 =	sand.u32 $0x4000, s31;
	s1 =	sadd.s32 s1, s30  }
0x38: {  	s0 =	sor.u32 s3, s0;
	s1 =	sshll.u32 s1, $0x11  }
0x39: {  	s0 =	sor.u32 s1, s0  }
0x3a: {  	s0 =	sadd.s32 $0x8F2B, s0  }
0x3b: {  	[sflag:s0] =	ssyncadd.remote.s32 $0x1  }
0x3c: {  	_ =	sfence.sel $0xFFFF  }
0x3d: {  	[dreg:$0x0] =	wrdreg $0xFFFFFFFF;
	(pc) =	sbr.abs _section_cstart, $3  }
0x3e: {  	[dreg:$0x1] =	wrdreg $0xFFFFFFFF  }
0x3f: {  	_ =	task.clear_ibuf [dreg:s7], $0x2FFFF;
	_ =	strace $0x9FFFFFFF  }
0x40: {  	(tm) =	ssettm $0x7FFFFFFF  }
0x41: {  	_ =	shalt  }
tec
execute0_lowered:
.L_overlay_start_1:
0x0: {  	(tag) =	ssettag $0x1  }
0x1: {  	s4 =	rddreg [dreg:$0x0]  }
0x2: {  	s2 =	rddreg [dreg:$0x1]  }
0x3: {  	s0 =	rddreg [dreg:$0x2]  }
0x4: {  	s1 =	stileid.u32;
	s3 =	srdreg.scid  }
0x5: {  	_ =	strace $0x80000047;
	s31 =	simm.s32 $0x2;
	s9 =	simm.s32 $0x0  }
0x6: {  	p0 =	por $0x0, $0x0;
	s14 =	simm.s32 $0x0;
	s15 =	simm.s32 $0x0  }
0x7: {  	s16 =	simm.s32 $0x0;
	s10 =	simm.s32 $0x0;
	s13 =	simm.s32 $0x0  }
0x8: {  	s5 =	sshll.u32 s3, $0x4;
	s3 =	sand.u32 $0x1, s1;
	s4 =	sadd.s32 $0x400600, s4  }
.Ltmp0:
0x9: {  	s5 =	sand.u32 $0x10, s5;
	s6 =	ssub.s32 $0x2, s3;
	(pc) =	sbr.rel .LBB1_1-.Ltmp0, $4  }
0xa: {  	s12 =	smov.u32 s3;
	s7 =	sshrl.u32 s6, $0x1;
	s8 =	sand.u32 $0x1, s6  }
0xb: {  	s5 =	sor.u32 s1, s5;
	s6 =	simm.s32 $0x1;
	s7 =	sadd.s32 s8, s7  }
0xc: {  	s5 =	sshrl.u32 s5, $0x1;
	[sflag:s6] =	ssyncpa.u1 $0x0;
	s7 =	sshll.u32 s7, $0x5  }
0xd: {  	[sflag:s31] =	ssyncpa.u1 $0x0;
	s11 =	smov.u32 s5;
	s8 =	sor.u32 $0x1, s7  }
.LBB1_7:
0xe: {  	s17 =	sadd.s32 $0x2, s10  }
0xf: {  	s14 =	sadd.s32 $0x10, s11;
	s18 =	smov.u32 s11;
	p2 =	sgt.s32 s17, $0x3F  }
0x10: {  	s18 =	smov.u32 @p2 s14  }
0x11: {  	s20 =	smov.u32 s12;
	s14 =	sadd.s32 $0x2, s12;
	p3 =	sgt.s32 s18, $0xF  }
0x12: {  	s20 =	smov.u32 @p3 s14  }
0x13: {  	s17 =	simm.s32 @p2 $0x0;
	p2 =	sgt.s32 s20, $0x1  }
0x14: {  	p1 =	slt.u32 s13, $0x2;
	s20 =	smov.u32 @p2 s3;
	p2 =	sne.s32 s13, s8  }
.Ltmp1:
0x15: {  	s19 =	simm.s32 @!p1 $0x2;
	(pc) =	sbr.rel @!p2 .LBB1_8-.Ltmp1, $4  }
0x16: {  	s15 =	smov.u32 s11;
	s16 =	smov.u32 s12;
	_ =	swait.ge @!p1 [sflag:s19], $0x4000  }
0x17: {  	p0 =	por !p0, !p0;
	[sflag:s19] =	ssyncset.done @!p1 $0x0;
	s18 =	smov.u32 @p3 s5  }
0x18: {  	s14 =	smov.u32 s10;
	[sflag:s19] =	ssyncadd.s32 @!p1 $0xFFFFC000;
	s10 =	smov.u32 s17  }
0x19: {  	s11 =	smov.u32 s18;
	s13 =	sadd.s32 $0x1, s13;
	s12 =	smov.u32 s20  }
.LBB1_1:
0x1a: {  	p1 =	sge.u32 s13, s7  }
0x1b: {  	s31 =	sadd.s32 $0xFFFFFFFF, s13;
	s17 =	sxor.u32 @!p1 $0xFFFFFFFF, s13;
	s18 =	sshll.u32 @!p1 s12, $0x15  }
0x1c: {  	s19 =	sshll.u32 @!p1 s11, $0x11;
	s17 =	sshll.u32 @!p1 s17, $0xE;
	s18 =	sadd.s32 @!p1 s4, s18  }
0x1d: {  	s20 =	sshll.u32 @!p1 s10, $0xB;
	s17 =	sand.u32 @!p1 $0x4000, s17;
	s18 =	sadd.s32 @!p1 s19, s18  }
0x1e: {  	s19 =	simm.s32 @!p1 $0x40;
	s18 =	sadd.s32 @!p1 s20, s18;
	s20 =	simm.s32 @!p1 $0x80  }
0x1f: {  	[tilespmem:s17], [sflag:$0x1] =	stream.strided.gather @!p1 [hbm4b:s18+s19], $0x4000, s20, s19, $0x38;
	[tilespmem:$0x10100] =	vst v63  }
0x20: {  	p1 =	sge.u32 s31, s7  }
.Ltmp2:
0x21: {  	_ = 	snop;
	(pc) =	sbr.rel @p1 .LBB1_7-.Ltmp2, $1  }
0x22: {  	_ =	sdelay $0x3  }
0x23: {  	s17 =	simm.s32 $0x1;
	s19 =	sand.u32 $0x1, s13  }
0x24: {  	_ =	swait.ge [sflag:s6], $0x4000;
	s17 =	simm.s32 @!p0 $0x0;
	s19 =	smul.u32 $0x10200, s19  }
0x25: {  	p2 =	por $0x1, $0x1;
	[sflag:s6] =	ssyncset.done $0x0;
	s18 =	smul.u32 $0x10200, s17  }
0x26: {  	s20 =	sshll.u32 s17, $0x10;
	[sflag:s6] =	ssyncadd.s32 $0xFFFFC000;
	s30 =	sshrl.u32 s19, $0x2  }
0x27: {  	s31 =	sshrl.u32 s20, $0x2;
	s20 =	simm.s32 $0x0;
	s18 =	sshrl.u32 s18, $0x2  }
0x28: {  	s17 =	sor.u32 $0x8000, s30;
	s19 =	sadd.s32 $0x20, s31;
	s18 =	sor.u32 $0x8000, s18  }
.LBB1_3:
0x29: {  	s21 =	sshll.u32 s20, $0xD  }
0x2a: {  	s21 =	sand.u32 $0x3FFFE000, s21  }
0x2b: {  	s23 =	sadd.s32 s21, s19  }
0x2c: {  	s31 =	smul.u32 $0x8100, s20;
	v3 =	vld [tilespmem:s23+$0x10]  }
0x2d: {  	v1 =	vld [tilespmem:s23+$0xFFFFFFF0]  }
0x2e: {  	s20 =	sshra.s32 s31, $0x2;
	v0 =	vld [tilespmem:s23+$0x0]  }
0x2f: {  	s20 =	sadd.s32 s20, s18;
	v2 =	vld [tilespmem:s23+$0xFFFFFFE0]  }
0x30: {  	s21 =	sadd.s32 $0x0, s20  }
0x31: {  	p1 =	por p2, p2;
	s22 =	simm.s32 $0x4;
	s23 =	sadd.s32 $0x40, s23;
	[tilespmem:s21+$0x1830 ss:$0x81] =	vst.msk $0xffff, v3  }
.LBB1_4:
0x32: {  	v3 =	vld [tilespmem:s23+$0x10];
	p2 =	sne.s32 s22, $0x1FC;
	[tilespmem:s21+$0x810 ss:$0x81] =	vst.msk $0xffff, v1;
	s24 =	smov.u32 s22;
	s22 =	sadd.s32 $0x4, s22  }
.Ltmp3:
0x33: {  	v1 =	vld [tilespmem:s23+$0xFFFFFFF0];
	[tilespmem:s21+$0x1020 ss:$0x81] =	vst.msk $0xffff, v0;
	(pc) =	sbr.rel @p2 .LBB1_4-.Ltmp3, $4  }
0x34: {  	v0 =	vld [tilespmem:s23+$0x0];
	[tilespmem:s21+$0x0 ss:$0x81] =	vst.msk $0xffff, v2  }
0x35: {  	s21 =	sshra.s32 s24, $0x2;
	v2 =	vld [tilespmem:s23+$0xFFFFFFE0]  }
0x36: {  	s21 =	sadd.s32 s21, s20  }
0x37: {  	s23 =	sadd.s32 $0x40, s23;
	[tilespmem:s21+$0x1830 ss:$0x81] =	vst.msk $0xffff, v3  }
.Ltmp4:
0x38: {  	(pc) =	sbr.rel @p1 .LBB1_3-.Ltmp4, $4  }
0x39: {  	_ = 	snop  }
0x3a: {  	[tilespmem:s21+$0x810 ss:$0x81] =	vst.msk $0xffff, v1  }
0x3b: {  	[tilespmem:s21+$0x1020 ss:$0x81] =	vst.msk $0xffff, v0  }
0x3c: {  	s20 =	simm.s32 $0x1;
	p2 =	por $0x0, $0x0;
	[tilespmem:s21+$0x0 ss:$0x81] =	vst.msk $0xffff, v2  }
.Ltmp5:
0x3d: {  	s16 =	sshll.u32 s16, $0x14;
	(pc) =	sbr.rel .LBB1_7-.Ltmp5, $4  }
0x3e: {  	s15 =	sshll.u32 s15, $0x10;
	s16 =	sadd.s32 s2, s16  }
0x3f: {  	s14 =	sshll.u32 s14, $0xA;
	s15 =	sadd.s32 s15, s16  }
0x40: {  	s14 =	sadd.s32 s14, s15  }
0x41: {  	[hbm4b:s14+s9] =	stream.linear.scatter [tilespmem:s17], [sflag:$0x2], $0x4000, $0x20;
	[tilespmem:$0x10100] =	vst v63  }
.LBB1_8:
0x42: {  	_ =	sfence.sel $0x180000  }
0x43: {  	s2 =	simm.s32 $0x1;
	[bflag:$0x0] =	sbarrier.arrive $0xFFFF  }
0x44: {  	s31 =	simm.s32 $0x2;
	[sflag:s2] =	ssyncpa.u1 $0x1  }
0x45: {  	[sflag:s31] =	ssyncpa.u1 $0x1  }
0x46: {  	p0 =	sne.s32 s1, $0x0;
	_ =	strace $0x90000047  }
0x47: {  	s0 =	sadd.s32 @!p0 $0x100000, s0;
	[bflag:$0x2] =	sbarrier.arrive $0xFFFF  }
0x48: {  	[sflag:s0] =	ssyncadd.tile.s32 @!p0 $0x1;
	_ =	shalt  }
.Lfunc_end1:
_tile_overlayer_lowered:
.L_overlay_start_2:
0x49: {  	(tag) =	ssettag $0x2  }
0x4a: {  	s0 =	rddreg [dreg:$0x0];
	s2 =	stileid.u32  }
0x4b: {  	s1 =	rddreg [dreg:$0x1];
	p0 =	sne.s32 s2, $0x0  }
0x4c: {  	s3 =	rddreg [dreg:$0x2];
	[bflag:$0x3] =	sbarrier.arrive $0xFFFF;
	s2 =	simm.s32 @!p0 $0x1C01  }
0x4d: {  	[timem:s3], [sflag:s2] =	dma.local @!p0 [hbm:s0], s1  }
0x4e: {  	s0 =	simm.s32 @!p0 $0x1  }
0x4f: {  	_ =	swait.ge @!p0 [sflag:s0], s1  }
0x50: {  	s1 =	ssub.s32 @!p0 $0x0, s1;
	[sflag:s0] =	ssyncset.done @!p0 $0x0  }
0x51: {  	[sflag:s0] =	ssyncadd.s32 @!p0 s1  }
0x52: {  	[bflag:$0x3] =	sbarrier.arrive $0xFFFF  }
0x53: {  	_ =	shalt  }

</sc_bundles>
